<compile_context>
chip_gen: v7x
topology: tpu7x:2x2x1
jax: 0.10.2.dev20260603
libtpu: 0.0.44.dev20260713+nightly
codegen_flags: <defaults>
</compile_context>

<pallas_src>
import jax
import jax.numpy as jnp
from jax.experimental import pallas as pl
from jax.experimental.pallas import tpu as pltpu
from jax.experimental.pallas import tpu_sc as plsc

_LANES = 16
_LN2 = 0.6931471805599453


def _exp_scalar(w):
    s = w * (1.0 / 128.0)
    p = 1.0 + s * (1.0 + s * (0.5 + s * (1.0 / 6.0 + s * (1.0 / 24.0 + s * (
        1.0 / 120.0 + s * (1.0 / 720.0 + s * (1.0 / 5040.0)))))))
    for _ in range(7):
        p = p * p
    return p


def _logsig_body(in_hbm, out_hbm, s_in, s_out):
    pltpu.sync_copy(in_hbm, s_in)
    x = s_in[0]
    a = s_in[_LANES]
    z = jnp.where(a == 0.0, -x, x)
    w = jnp.maximum(-jnp.abs(z), -87.0)
    u = _exp_scalar(w)
    y = 1.0 + u
    t = _LN2 * u
    for _ in range(3):
        t = t - 1.0 + y * _exp_scalar(jnp.minimum(-t, 0.0))
    t_small = u * (1.0 - 0.5 * u + u * u * (1.0 / 3.0))
    t = jnp.where(u < 0.01, t_small, t)
    s_out[0] = jnp.minimum(z, 0.0) - t
    pltpu.sync_copy(s_out, out_hbm)


_logsig = pl.kernel(
    _logsig_body,
    out_type=jax.ShapeDtypeStruct((_LANES,), jnp.float32),
    mesh=plsc.ScalarSubcoreMesh(axis_name="c", num_cores=1),
    scratch_types=[
        pltpu.SMEM((2 * _LANES,), jnp.float32),
        pltpu.SMEM((_LANES,), jnp.float32),
    ],
)


def kernel(actions, gate_W, gate_b, ntg_W, ntg_b, addnode_W, addnode_b,
           ntype_emb, inith_W, inith_b, addedge_W, addedge_b, dest_W, dest_b,
           msg_W, msg_b, gru_Wih, gru_Whh, gru_bih, gru_bhh):
    b16 = jnp.pad(addnode_b.astype(jnp.float32), (0, _LANES - addnode_b.shape[0]))
    act16 = actions[:_LANES].astype(jnp.float32)
    out = _logsig(jnp.concatenate([b16, act16]))
    return out[0]

# --- scband reference (transcript-rebuilt; emitter-appended) ---
"""Pipeline reference for scband-dgmg-39290360824588 (READ-ONLY COPY).

The authoritative reference and input builder live on the scoring server;
editing this copy changes nothing except your own understanding.
"""

import jax, jax.numpy as jnp
import numpy as np

H = 256
R = 2
V_MAX = 100


def setup_inputs(seed: int = 0) -> dict:
    key = jax.random.key(seed)

    def nrm(k, shape, scale=0.05):
        return jax.random.normal(jax.random.fold_in(key, k), shape, dtype=jnp.float32) * scale

    inp = {
        "actions": jnp.ones((256,), dtype=jnp.int32),
        "gate_W": nrm(1, (H, 1)), "gate_b": nrm(2, (1,)),
        "ntg_W": nrm(3, (H, 2 * H)), "ntg_b": nrm(4, (2 * H,)),
        "addnode_W": nrm(5, (2 * H, 1)), "addnode_b": nrm(6, (1,)),
        "ntype_emb": nrm(7, (1, H)),
        "inith_W": nrm(8, (3 * H, H)), "inith_b": nrm(9, (H,)),
        "addedge_W": nrm(10, (3 * H, 1)), "addedge_b": nrm(11, (1,)),
        "dest_W": nrm(12, (2 * H, 1)), "dest_b": nrm(13, (1,)),
        "msg_W": nrm(14, (R, 2 * H, 2 * H)), "msg_b": nrm(15, (R, 2 * H)),
        "gru_Wih": nrm(16, (R, 2 * H, 3 * H)), "gru_Whh": nrm(17, (R, H, 3 * H)),
        "gru_bih": nrm(18, (R, 3 * H)), "gru_bhh": nrm(19, (R, 3 * H)),
    }
    return inp


def _graph_embed(hvs_list, gate_W, gate_b, ntg_W, ntg_b):
    # GraphEmbed.forward: gated sum of node states -> [1, 2H]
    if len(hvs_list) == 0:
        return jnp.zeros((1, 2 * H), dtype=jnp.float32)
    hvs = jnp.stack(hvs_list, 0)
    gate = jax.nn.sigmoid(hvs @ gate_W + gate_b)
    return jnp.sum(gate * (hvs @ ntg_W + ntg_b), axis=0, keepdims=True)


def _graph_prop(hvs_list, edge_list, msg_W, msg_b, gru_Wih, gru_Whh, gru_bih, gru_bhh):
    # GraphProp.forward: R rounds of edge message passing + GRUCell updates.
    # Torch code only updates nodes that received >=1 message; mirrored via has_msg mask.
    if len(edge_list) == 0:
        return hvs_list
    N = len(hvs_list)
    src = jnp.array([e[0] for e in edge_list], dtype=jnp.int32)
    dst = jnp.array([e[1] for e in edge_list], dtype=jnp.int32)
    hvs = jnp.stack(hvs_list, 0)
    has_msg = jax.ops.segment_sum(jnp.ones((len(edge_list),), jnp.float32), dst, num_segments=N) > 0
    for t in range(R):
        m_in = jnp.concatenate([hvs[src], hvs[dst]], axis=1)
        m = m_in @ msg_W[t] + msg_b[t]
        agg = jax.ops.segment_sum(m, dst, num_segments=N)
        gi = agg @ gru_Wih[t] + gru_bih[t]
        gh = hvs @ gru_Whh[t] + gru_bhh[t]
        i_r, i_z, i_n = jnp.split(gi, 3, axis=1)
        h_r, h_z, h_n = jnp.split(gh, 3, axis=1)
        r = jax.nn.sigmoid(i_r + h_r)
        z = jax.nn.sigmoid(i_z + h_z)
        n = jnp.tanh(i_n + r * h_n)
        h_new = (1.0 - z) * n + z * hvs
        hvs = jnp.where(has_msg[:, None], h_new, hvs)
    return [hvs[i] for i in range(N)]


def reference(actions, gate_W, gate_b, ntg_W, ntg_b, addnode_W, addnode_b, ntype_emb,
              inith_W, inith_b, addedge_W, addedge_b, dest_W, dest_b,
              msg_W, msg_b, gru_Wih, gru_Whh, gru_bih, gru_bhh):
    # Teacher-forced DGMG training forward: interpret the action sequence and
    # return summed log-probability of all decisions (the training objective).
    n_acts = actions.shape[0]
    pos = [0]

    def nxt(default):
        if pos[0] < n_acts:
            i = pos[0]
            pos[0] += 1
            # setup_inputs always passes an all-ones action sequence; the
            # static value drives control flow, the traced element keeps the
            # output's dependence on `actions` expressed in the computation.
            return 1, actions[i]
        return default, jnp.asarray(default, dtype=actions.dtype)

    hvs_list = []
    edge_set = set()
    edge_list = []
    log_probs = []
    while True:
        # AddNode agent
        ge = _graph_embed(hvs_list, gate_W, gate_b, ntg_W, ntg_b)
        logit = ge @ addnode_W + addnode_b
        a, a_t = nxt(1)
        stop = (a == 1)
        if not stop:
            hv = (jnp.concatenate([ntype_emb[a][None, :], ge], axis=1) @ inith_W + inith_b)[0]
            hvs_list.append(hv)
        log_probs.append(jnp.sum(jnp.where(a_t == 0, jax.nn.log_sigmoid(-logit), jax.nn.log_sigmoid(logit))))
        if stop or len(hvs_list) >= V_MAX:
            break
        # AddEdge / ChooseDestAndUpdate loop
        while True:
            ge = _graph_embed(hvs_list, gate_W, gate_b, ntg_W, ntg_b)
            src_embed = hvs_list[-1][None, :]
            elogit = jnp.concatenate([ge, src_embed], axis=1) @ addedge_W + addedge_b
            ea, ea_t = nxt(1)
            to_add = (ea == 0)
            log_probs.append(jnp.sum(jnp.where(ea_t == 0, jax.nn.log_sigmoid(-elogit), jax.nn.log_sigmoid(elogit))))
            if not to_add:
                break
            srci = len(hvs_list) - 1
            possible = list(range(srci))
            d, d_t = nxt(0)
            if not possible:
                continue
            d = d % len(possible)
            d_idx = d_t % len(possible)
            src_e = jnp.tile(hvs_list[srci][None, :], (len(possible), 1))
            dests = jnp.stack([hvs_list[i] for i in possible], 0)
            scores = (jnp.concatenate([dests, src_e], axis=1) @ dest_W + dest_b).reshape(1, -1)
            dest_node = possible[d]
            if (srci, dest_node) not in edge_set:
                for e in [(srci, dest_node), (dest_node, srci)]:
                    if e not in edge_set:
                        edge_set.add(e)
                        edge_list.append(e)
                hvs_list = _graph_prop(hvs_list, edge_list, msg_W, msg_b, gru_Wih, gru_Whh, gru_bih, gru_bhh)
            log_probs.append(jnp.sum(jnp.take(jax.nn.log_softmax(scores, axis=1)[0], d_idx)))
    return jnp.sum(jnp.stack(log_probs))

if __name__ == "__main__":
    import jax
    _d = setup_inputs()
    print(jax.jit(kernel)(*tuple(_d.values())))

</pallas_src>

<mosaic_0001>
#map = affine_map<(d0) -> (0)>
module attributes {stable_mosaic.version = 14 : i64} {
  func.func @_logsig_body(%arg0: i32, %arg1: memref<32xf32, #tpu.memory_space<hbm>>, %arg2: memref<16xf32, #tpu.memory_space<hbm>>, %arg3: memref<32xf32, #tpu.memory_space<smem>>, %arg4: memref<16xf32, #tpu.memory_space<smem>>) attributes {dimension_semantics = [#tpu.dimension_semantics<core_parallel>], iteration_bounds = array<i64: 1>, scalar_prefetch = 0 : i64, scratch_operands = 2 : i64, tpu.core_type = #tpu.core_type<sc_scalar_subcore>, window_params = [{transform_indices = #map}, {transform_indices = #map}]} {
    "tpu.region"() ({
      %run_scoped3A = tpu.sem_alloc : memref<!tpu.dma_semaphore, #tpu.memory_space<semaphore_mem>>
      tpu.enqueue_dma source(%arg1 : memref<32xf32, #tpu.memory_space<hbm>>) target(%arg3 : memref<32xf32, #tpu.memory_space<smem>>) target_semaphore(%run_scoped3A : memref<!tpu.dma_semaphore, #tpu.memory_space<semaphore_mem>>)
      tpu.wait_dma2 semaphore(%run_scoped3A : memref<!tpu.dma_semaphore, #tpu.memory_space<semaphore_mem>>) src(%arg1 : memref<32xf32, #tpu.memory_space<hbm>>) dst(%arg3 : memref<32xf32, #tpu.memory_space<smem>>)
      tpu.yield
    }) : () -> ()
    %get3A = arith.constant 0 : i32
    %get3A_0 = arith.index_cast %get3A : i32 to index
    %get3A_1 = memref.load %arg3[%get3A_0] : memref<32xf32, #tpu.memory_space<smem>>
    %get3A_2 = arith.constant 16 : i32
    %get3A_3 = arith.index_cast %get3A_2 : i32 to index
    %get3A_4 = memref.load %arg3[%get3A_3] : memref<32xf32, #tpu.memory_space<smem>>
    %eq3A = arith.constant 0.000000e+00 : f32
    %eq3A_5 = arith.cmpf oeq, %get3A_4, %eq3A : f32
    %neg3A = arith.constant 0.000000e+00 : f32
    %neg3A_6 = arith.subf %neg3A, %get3A_1 : f32
    %select_n3A = arith.select %eq3A_5, %neg3A_6, %get3A_1 : f32
    %abs3A = math.absf %select_n3A : f32
    %neg3A_7 = arith.constant 0.000000e+00 : f32
    %neg3A_8 = arith.subf %neg3A_7, %abs3A : f32
    %max3A = arith.constant -8.700000e+01 : f32
    %max3A_9 = arith.maximumf %neg3A_8, %max3A : f32
    %mul3A = arith.constant 7.812500e-03 : f32
    %mul3A_10 = arith.mulf %max3A_9, %mul3A : f32
    %mul3A_11 = arith.constant 1.98412701E-4 : f32
    %mul3A_12 = arith.mulf %mul3A_10, %mul3A_11 : f32
    %add3A = arith.constant 0.00138888892 : f32
    %add3A_13 = arith.addf %add3A, %mul3A_12 : f32
    %mul3A_14 = arith.mulf %mul3A_10, %add3A_13 : f32
    %add3A_15 = arith.constant 0.00833333377 : f32
    %add3A_16 = arith.addf %add3A_15, %mul3A_14 : f32
    %mul3A_17 = arith.mulf %mul3A_10, %add3A_16 : f32
    %add3A_18 = arith.constant 0.0416666679 : f32
    %add3A_19 = arith.addf %add3A_18, %mul3A_17 : f32
    %mul3A_20 = arith.mulf %mul3A_10, %add3A_19 : f32
    %add3A_21 = arith.constant 0.166666672 : f32
    %add3A_22 = arith.addf %add3A_21, %mul3A_20 : f32
    %mul3A_23 = arith.mulf %mul3A_10, %add3A_22 : f32
    %add3A_24 = arith.constant 5.000000e-01 : f32
    %add3A_25 = arith.addf %add3A_24, %mul3A_23 : f32
    %mul3A_26 = arith.mulf %mul3A_10, %add3A_25 : f32
    %add3A_27 = arith.constant 1.000000e+00 : f32
    %add3A_28 = arith.addf %add3A_27, %mul3A_26 : f32
    %mul3A_29 = arith.mulf %mul3A_10, %add3A_28 : f32
    %add3A_30 = arith.constant 1.000000e+00 : f32
    %add3A_31 = arith.addf %add3A_30, %mul3A_29 : f32
    %mul3A_32 = arith.mulf %add3A_31, %add3A_31 : f32
    %mul3A_33 = arith.mulf %mul3A_32, %mul3A_32 : f32
    %mul3A_34 = arith.mulf %mul3A_33, %mul3A_33 : f32
    %mul3A_35 = arith.mulf %mul3A_34, %mul3A_34 : f32
    %mul3A_36 = arith.mulf %mul3A_35, %mul3A_35 : f32
    %mul3A_37 = arith.mulf %mul3A_36, %mul3A_36 : f32
    %mul3A_38 = arith.mulf %mul3A_37, %mul3A_37 : f32
    %add3A_39 = arith.constant 1.000000e+00 : f32
    %add3A_40 = arith.addf %add3A_39, %mul3A_38 : f32
    %mul3A_41 = arith.constant 0.693147182 : f32
    %mul3A_42 = arith.mulf %mul3A_41, %mul3A_38 : f32
    %sub3A = arith.constant 1.000000e+00 : f32
    %sub3A_43 = arith.subf %mul3A_42, %sub3A : f32
    %neg3A_44 = arith.constant 0.000000e+00 : f32
    %neg3A_45 = arith.subf %neg3A_44, %mul3A_42 : f32
    %min3A = arith.constant 0.000000e+00 : f32
    %min3A_46 = arith.minimumf %neg3A_45, %min3A : f32
    %mul3A_47 = arith.constant 7.812500e-03 : f32
    %mul3A_48 = arith.mulf %min3A_46, %mul3A_47 : f32
    %mul3A_49 = arith.constant 1.98412701E-4 : f32
    %mul3A_50 = arith.mulf %mul3A_48, %mul3A_49 : f32
    %add3A_51 = arith.constant 0.00138888892 : f32
    %add3A_52 = arith.addf %add3A_51, %mul3A_50 : f32
    %mul3A_53 = arith.mulf %mul3A_48, %add3A_52 : f32
    %add3A_54 = arith.constant 0.00833333377 : f32
    %add3A_55 = arith.addf %add3A_54, %mul3A_53 : f32
    %mul3A_56 = arith.mulf %mul3A_48, %add3A_55 : f32
    %add3A_57 = arith.constant 0.0416666679 : f32
    %add3A_58 = arith.addf %add3A_57, %mul3A_56 : f32
    %mul3A_59 = arith.mulf %mul3A_48, %add3A_58 : f32
    %add3A_60 = arith.constant 0.166666672 : f32
    %add3A_61 = arith.addf %add3A_60, %mul3A_59 : f32
    %mul3A_62 = arith.mulf %mul3A_48, %add3A_61 : f32
    %add3A_63 = arith.constant 5.000000e-01 : f32
    %add3A_64 = arith.addf %add3A_63, %mul3A_62 : f32
    %mul3A_65 = arith.mulf %mul3A_48, %add3A_64 : f32
    %add3A_66 = arith.constant 1.000000e+00 : f32
    %add3A_67 = arith.addf %add3A_66, %mul3A_65 : f32
    %mul3A_68 = arith.mulf %mul3A_48, %add3A_67 : f32
    %add3A_69 = arith.constant 1.000000e+00 : f32
    %add3A_70 = arith.addf %add3A_69, %mul3A_68 : f32
    %mul3A_71 = arith.mulf %add3A_70, %add3A_70 : f32
    %mul3A_72 = arith.mulf %mul3A_71, %mul3A_71 : f32
    %mul3A_73 = arith.mulf %mul3A_72, %mul3A_72 : f32
    %mul3A_74 = arith.mulf %mul3A_73, %mul3A_73 : f32
    %mul3A_75 = arith.mulf %mul3A_74, %mul3A_74 : f32
    %mul3A_76 = arith.mulf %mul3A_75, %mul3A_75 : f32
    %mul3A_77 = arith.mulf %mul3A_76, %mul3A_76 : f32
    %mul3A_78 = arith.mulf %add3A_40, %mul3A_77 : f32
    %add3A_79 = arith.addf %sub3A_43, %mul3A_78 : f32
    %sub3A_80 = arith.constant 1.000000e+00 : f32
    %sub3A_81 = arith.subf %add3A_79, %sub3A_80 : f32
    %neg3A_82 = arith.constant 0.000000e+00 : f32
    %neg3A_83 = arith.subf %neg3A_82, %add3A_79 : f32
    %min3A_84 = arith.constant 0.000000e+00 : f32
    %min3A_85 = arith.minimumf %neg3A_83, %min3A_84 : f32
    %mul3A_86 = arith.constant 7.812500e-03 : f32
    %mul3A_87 = arith.mulf %min3A_85, %mul3A_86 : f32
    %mul3A_88 = arith.constant 1.98412701E-4 : f32
    %mul3A_89 = arith.mulf %mul3A_87, %mul3A_88 : f32
    %add3A_90 = arith.constant 0.00138888892 : f32
    %add3A_91 = arith.addf %add3A_90, %mul3A_89 : f32
    %mul3A_92 = arith.mulf %mul3A_87, %add3A_91 : f32
    %add3A_93 = arith.constant 0.00833333377 : f32
    %add3A_94 = arith.addf %add3A_93, %mul3A_92 : f32
    %mul3A_95 = arith.mulf %mul3A_87, %add3A_94 : f32
    %add3A_96 = arith.constant 0.0416666679 : f32
    %add3A_97 = arith.addf %add3A_96, %mul3A_95 : f32
    %mul3A_98 = arith.mulf %mul3A_87, %add3A_97 : f32
    %add3A_99 = arith.constant 0.166666672 : f32
    %add3A_100 = arith.addf %add3A_99, %mul3A_98 : f32
    %mul3A_101 = arith.mulf %mul3A_87, %add3A_100 : f32
    %add3A_102 = arith.constant 5.000000e-01 : f32
    %add3A_103 = arith.addf %add3A_102, %mul3A_101 : f32
    %mul3A_104 = arith.mulf %mul3A_87, %add3A_103 : f32
    %add3A_105 = arith.constant 1.000000e+00 : f32
    %add3A_106 = arith.addf %add3A_105, %mul3A_104 : f32
    %mul3A_107 = arith.mulf %mul3A_87, %add3A_106 : f32
    %add3A_108 = arith.constant 1.000000e+00 : f32
    %add3A_109 = arith.addf %add3A_108, %mul3A_107 : f32
    %mul3A_110 = arith.mulf %add3A_109, %add3A_109 : f32
    %mul3A_111 = arith.mulf %mul3A_110, %mul3A_110 : f32
    %mul3A_112 = arith.mulf %mul3A_111, %mul3A_111 : f32
    %mul3A_113 = arith.mulf %mul3A_112, %mul3A_112 : f32
    %mul3A_114 = arith.mulf %mul3A_113, %mul3A_113 : f32
    %mul3A_115 = arith.mulf %mul3A_114, %mul3A_114 : f32
    %mul3A_116 = arith.mulf %mul3A_115, %mul3A_115 : f32
    %mul3A_117 = arith.mulf %add3A_40, %mul3A_116 : f32
    %add3A_118 = arith.addf %sub3A_81, %mul3A_117 : f32
    %sub3A_119 = arith.constant 1.000000e+00 : f32
    %sub3A_120 = arith.subf %add3A_118, %sub3A_119 : f32
    %neg3A_121 = arith.constant 0.000000e+00 : f32
    %neg3A_122 = arith.subf %neg3A_121, %add3A_118 : f32
    %min3A_123 = arith.constant 0.000000e+00 : f32
    %min3A_124 = arith.minimumf %neg3A_122, %min3A_123 : f32
    %mul3A_125 = arith.constant 7.812500e-03 : f32
    %mul3A_126 = arith.mulf %min3A_124, %mul3A_125 : f32
    %mul3A_127 = arith.constant 1.98412701E-4 : f32
    %mul3A_128 = arith.mulf %mul3A_126, %mul3A_127 : f32
    %add3A_129 = arith.constant 0.00138888892 : f32
    %add3A_130 = arith.addf %add3A_129, %mul3A_128 : f32
    %mul3A_131 = arith.mulf %mul3A_126, %add3A_130 : f32
    %add3A_132 = arith.constant 0.00833333377 : f32
    %add3A_133 = arith.addf %add3A_132, %mul3A_131 : f32
    %mul3A_134 = arith.mulf %mul3A_126, %add3A_133 : f32
    %add3A_135 = arith.constant 0.0416666679 : f32
    %add3A_136 = arith.addf %add3A_135, %mul3A_134 : f32
    %mul3A_137 = arith.mulf %mul3A_126, %add3A_136 : f32
    %add3A_138 = arith.constant 0.166666672 : f32
    %add3A_139 = arith.addf %add3A_138, %mul3A_137 : f32
    %mul3A_140 = arith.mulf %mul3A_126, %add3A_139 : f32
    %add3A_141 = arith.constant 5.000000e-01 : f32
    %add3A_142 = arith.addf %add3A_141, %mul3A_140 : f32
    %mul3A_143 = arith.mulf %mul3A_126, %add3A_142 : f32
    %add3A_144 = arith.constant 1.000000e+00 : f32
    %add3A_145 = arith.addf %add3A_144, %mul3A_143 : f32
    %mul3A_146 = arith.mulf %mul3A_126, %add3A_145 : f32
    %add3A_147 = arith.constant 1.000000e+00 : f32
    %add3A_148 = arith.addf %add3A_147, %mul3A_146 : f32
    %mul3A_149 = arith.mulf %add3A_148, %add3A_148 : f32
    %mul3A_150 = arith.mulf %mul3A_149, %mul3A_149 : f32
    %mul3A_151 = arith.mulf %mul3A_150, %mul3A_150 : f32
    %mul3A_152 = arith.mulf %mul3A_151, %mul3A_151 : f32
    %mul3A_153 = arith.mulf %mul3A_152, %mul3A_152 : f32
    %mul3A_154 = arith.mulf %mul3A_153, %mul3A_153 : f32
    %mul3A_155 = arith.mulf %mul3A_154, %mul3A_154 : f32
    %mul3A_156 = arith.mulf %add3A_40, %mul3A_155 : f32
    %add3A_157 = arith.addf %sub3A_120, %mul3A_156 : f32
    %mul3A_158 = arith.constant 5.000000e-01 : f32
    %mul3A_159 = arith.mulf %mul3A_158, %mul3A_38 : f32
    %sub3A_160 = arith.constant 1.000000e+00 : f32
    %sub3A_161 = arith.subf %sub3A_160, %mul3A_159 : f32
    %mul3A_162 = arith.mulf %mul3A_38, %mul3A_38 : f32
    %mul3A_163 = arith.constant 0.333333343 : f32
    %mul3A_164 = arith.mulf %mul3A_162, %mul3A_163 : f32
    %add3A_165 = arith.addf %sub3A_161, %mul3A_164 : f32
    %mul3A_166 = arith.mulf %mul3A_38, %add3A_165 : f32
    %lt3A = arith.constant 0.00999999977 : f32
    %lt3A_167 = arith.cmpf olt, %mul3A_38, %lt3A : f32
    %select_n3A_168 = arith.select %lt3A_167, %mul3A_166, %add3A_157 : f32
    %min3A_169 = arith.constant 0.000000e+00 : f32
    %min3A_170 = arith.minimumf %select_n3A, %min3A_169 : f32
    %sub3A_171 = arith.subf %min3A_170, %select_n3A_168 : f32
    %swap3A = arith.constant 0 : i32
    %swap3A_172 = arith.index_cast %swap3A : i32 to index
    %swap3A_173 = memref.load %arg4[%swap3A_172] : memref<16xf32, #tpu.memory_space<smem>>
    memref.store %sub3A_171, %arg4[%swap3A_172] : memref<16xf32, #tpu.memory_space<smem>>
    "tpu.region"() ({
      %run_scoped3A = tpu.sem_alloc : memref<!tpu.dma_semaphore, #tpu.memory_space<semaphore_mem>>
      tpu.enqueue_dma source(%arg4 : memref<16xf32, #tpu.memory_space<smem>>) target(%arg2 : memref<16xf32, #tpu.memory_space<hbm>>) target_semaphore(%run_scoped3A : memref<!tpu.dma_semaphore, #tpu.memory_space<semaphore_mem>>)
      tpu.wait_dma2 semaphore(%run_scoped3A : memref<!tpu.dma_semaphore, #tpu.memory_space<semaphore_mem>>) src(%arg4 : memref<16xf32, #tpu.memory_space<smem>>) dst(%arg2 : memref<16xf32, #tpu.memory_space<hbm>>)
      tpu.yield
    }) : () -> ()
    return
  }
}

</mosaic_0001>

<sc_bundles>
// kernel: kernel.3.cloned.1.call-start
scs
__scs_entry_jumppad:
0x0: {  	(pc) =	sbr.rel $0x88, $3  }
0x1: {  	(tag) =	ssettag $0x0;
	lr =	simm.s32 $0x1  }
0x2: {  	[smem:$0x3F9F] =	sst lr;
	_ =	strace $0xD0000000  }
0x3: {  	_ = 	snop  }
0x4: {  	_ = 	snop  }
0x5: {  	_ = 	snop  }
0x6: {  	_ = 	snop  }
0x7: {  	_ = 	snop  }
__scs_overlays_trampoline_lowered:
0x8: {  	[smem:$0x3FAE] =	sst s0  }
0x9: {  	[smem:$0x3FAF] =	sst s1  }
0xa: {  	[smem:$0x3FB0] =	sst s2  }
0xb: {  	[smem:$0x3FB1] =	sst s3  }
0xc: {  	[smem:$0x3FB2] =	sst s4  }
0xd: {  	[smem:$0x3FB3] =	sst s5  }
0xe: {  	[smem:$0x3FB4] =	sst s6  }
0xf: {  	[smem:$0x3FB5] =	sst s7  }
0x10: {  	[smem:$0x3FB6] =	sst s8  }
0x11: {  	[smem:$0x3FB7] =	sst s9;
	s0 =	simm.s32 @!p0 $0x0  }
0x12: {  	s1 =	sld [smem:$0x3F9D];
	s0 =	simm.s32 @p0 $0x1  }
0x13: {  	[smem:$0x3FB8] =	sst s0;
	s0 =	simm.s32 @!p1 $0x0  }
0x14: {  	s2 =	sld [smem:$0x3F9C];
	s0 =	simm.s32 @p1 $0x1  }
0x15: {  	[smem:$0x3FB9] =	sst s0;
	s0 =	simm.s32 @!p2 $0x0  }
0x16: {  	s3 =	sld [smem:$0x3FDB];
	s0 =	simm.s32 @p2 $0x1  }
0x17: {  	s4 =	simm.s32 $0x1BF5;
	[smem:$0x3FBB] =	sst s0  }
0x18: {  	s0 =	sld [smem:$0x3F9E];
	_ =	swait.ge [sflag:s4], $0x0  }
0x19: {  	s7 =	sld [smem:$0x3F9F]  }
0x1a: {  	s8 =	sadd.s32 $0xFFFFE003, lr  }
0x1b: {  	s9 =	sadd.s32 $0xFFFFFEF7, lr;
	s5 =	simm.s32 $0xFFFFFFFF;
	p2 =	slt.u32 s8, $0xFFFFF086  }
0x1c: {  	p1 =	slt.u32 s9, $0xF7A;
	s5 =	simm.s32 @!p2 $0x0  }
0x1d: {  	s5 =	simm.s32 @p1 $0x1;
	p0 =	seq.s32 s7, s2  }
0x1e: {  	s7 =	smul.u32 @!p0 $0xF7A, s2;
	p2 =	seq.s32 @!p0 s5, $0x0  }
0x1f: {  	s9 =	smul.u32 $0xF7A, s1;
	s8 =	simm.s32 @!p0 $0x1BF5;
	p2 =	por !p2, p0  }
0x20: {  	[sflag:s8] =	ssyncset.s32 @!p0 $0xFFFFF086;
	s6 =	sadd.s32 @!p0 s3, s7;
	s7 =	simm.s32 @!p0 $0x108  }
0x21: {  	s3 =	sadd.s32 s3, s9;
	s6 =	sadd.s32 @!p0 $0x88, s6;
	s7 =	simm.s32 @p2 $0x1082  }
0x22: {  	[simem:s7], [sflag:s8] =	dma.local @!p0 [hbm:s6], $0xF7A  }
0x23: {  	s9 =	sor.u32 $0xD0000000, s2;
	s6 =	simm.s32 $0x108;
	_ =	swait.ge @!p0 [sflag:s8], $0x0  }
0x24: {  	s3 =	sadd.s32 $0x88, s3;
	s6 =	simm.s32 @!p1 $0x1082;
	[sflag:s4] =	ssyncset.s32 $0xFFFFF086  }
0x25: {  	[simem:s6], [sflag:s4] =	dma.local [hbm:s3], $0xF7A  }
0x26: {  	[smem:$0x3F9F] =	sst s1;
	(tag) =	ssettag s2;
	_ =	strace s9  }
0x27: {  	s1 =	sld [smem:$0x3FAF]  }
0x28: {  	s2 =	sld [smem:$0x3FB0]  }
0x29: {  	s4 =	sld [smem:$0x3FB2]  }
0x2a: {  	p0 =	seq.s32 s5, $0x0;
	s5 =	sld [smem:$0x3FB3]  }
0x2b: {  	s6 =	sld [smem:$0x3FB4]  }
0x2c: {  	s7 =	sld [smem:$0x3FB5]  }
0x2d: {  	s3 =	simm.s32 $0x108;
	s8 =	sld [smem:$0x3FB6]  }
0x2e: {  	s3 =	simm.s32 @!p0 $0x1082;
	s9 =	sld [smem:$0x3FB7]  }
0x2f: {  	lr =	sadd.s32 s0, s3;
	s0 =	sld [smem:$0x3FAE]  }
0x30: {  	s3 =	sld [smem:$0x3FB1]  }
0x31: {  	[smem:$0x3FBA] =	sst s10  }
0x32: {  	s10 =	sld [smem:$0x3FB8];
	_ =	sdelay $0x3  }
0x33: {  	p0 =	seq.s32 s10, $0x1;
	s10 =	sld [smem:$0x3FBA];
	_ =	sdelay $0x3  }
0x34: {  	[smem:$0x3FBA] =	sst s10  }
0x35: {  	s10 =	sld [smem:$0x3FB9];
	_ =	sdelay $0x3  }
0x36: {  	p1 =	seq.s32 s10, $0x1;
	s10 =	sld [smem:$0x3FBA];
	_ =	sdelay $0x3  }
0x37: {  	[smem:$0x3FBA] =	sst s10  }
0x38: {  	s10 =	sld [smem:$0x3FBB]  }
0x39: {  	_ = 	snop;
	(pc) =	sbr.ind lr, $3  }
0x3a: {  	_ = 	snop  }
0x3b: {  	_ = 	snop  }
0x3c: {  	p2 =	seq.s32 s10, $0x1;
	s10 =	sld [smem:$0x3FBA]  }
0x3d: {  	_ =	shalt  }
0x3e: {  	_ =	shalt  }
0x3f: {  	_ =	shalt  }
0x40: {  	_ =	shalt  }
0x41: {  	_ =	shalt  }
0x42: {  	_ =	shalt  }
0x43: {  	_ =	shalt  }
0x44: {  	_ =	shalt  }
0x45: {  	_ =	shalt  }
0x46: {  	_ =	shalt  }
0x47: {  	_ =	shalt  }
0x48: {  	_ =	shalt  }
0x49: {  	_ =	shalt  }
0x4a: {  	_ =	shalt  }
0x4b: {  	_ =	shalt  }
0x4c: {  	_ =	shalt  }
0x4d: {  	_ =	shalt  }
0x4e: {  	_ =	shalt  }
0x4f: {  	_ =	shalt  }
0x50: {  	_ =	shalt  }
0x51: {  	_ =	shalt  }
0x52: {  	_ =	shalt  }
0x53: {  	_ =	shalt  }
0x54: {  	_ =	shalt  }
0x55: {  	_ =	shalt  }
0x56: {  	_ =	shalt  }
0x57: {  	_ =	shalt  }
0x58: {  	_ =	shalt  }
0x59: {  	_ =	shalt  }
0x5a: {  	_ =	shalt  }
0x5b: {  	_ =	shalt  }
0x5c: {  	_ =	shalt  }
0x5d: {  	_ =	shalt  }
0x5e: {  	_ =	shalt  }
0x5f: {  	_ =	shalt  }
0x60: {  	_ =	shalt  }
0x61: {  	_ =	shalt  }
0x62: {  	_ =	shalt  }
0x63: {  	_ =	shalt  }
0x64: {  	_ =	shalt  }
0x65: {  	_ =	shalt  }
0x66: {  	_ =	shalt  }
0x67: {  	_ =	shalt  }
0x68: {  	_ =	shalt  }
0x69: {  	_ =	shalt  }
0x6a: {  	_ =	shalt  }
0x6b: {  	_ =	shalt  }
0x6c: {  	_ =	shalt  }
0x6d: {  	_ =	shalt  }
0x6e: {  	_ =	shalt  }
0x6f: {  	_ =	shalt  }
0x70: {  	_ =	shalt  }
0x71: {  	_ =	shalt  }
0x72: {  	_ =	shalt  }
0x73: {  	_ =	shalt  }
0x74: {  	_ =	shalt  }
0x75: {  	_ =	shalt  }
0x76: {  	_ =	shalt  }
0x77: {  	_ =	shalt  }
0x78: {  	_ =	shalt  }
0x79: {  	_ =	shalt  }
0x7a: {  	_ =	shalt  }
0x7b: {  	_ =	shalt  }
0x7c: {  	_ =	shalt  }
0x7d: {  	_ =	shalt  }
0x7e: {  	_ =	shalt  }
0x7f: {  	_ =	shalt  }
0x80: {  	_ =	shalt  }
0x81: {  	_ =	shalt  }
0x82: {  	_ =	shalt  }
0x83: {  	_ =	shalt  }
0x84: {  	_ =	shalt  }
0x85: {  	_ =	shalt  }
0x86: {  	_ =	shalt  }
0x87: {  	_ =	shalt  }
.Lfunc_end0:
.L_simem_size_0:
called_computation_lowered:
.L_overlay_start_0:
0x88: {  	s0 =	sld [smem:$0x3FD9]  }
0x89: {  	s1 =	sld [smem:$0x3FFE];
	_ =	sdelay $0x3  }
0x8a: {  	s0 =	sadd.s32 s1, s0  }
0x8b: {  	[smem:$0x3FC6] =	sst s0  }
0x8c: {  	_ = 	snop  }
0x8d: {  	s0 =	sld [smem:$0x3FD0];
	(tm) =	ssettm $0x1  }
0x8e: {  	s16 =	sld [smem:$0x3FFB];
	_ =	sdelay $0x3  }
0x8f: {  	_ =	strace s16  }
0x90: {  	s1 =	sld [smem:$0x3FFC];
	_ =	sdelay $0x3  }
0x91: {  	_ =	strace s1  }
0x92: {  	s1 =	sld [smem:$0x3FFD];
	_ =	sdelay $0x3  }
0x93: {  	_ =	strace s1  }
0x94: {  	s17 =	simm.s32 $0x1B8B;
	_ =	strace $0x8FFFFFFF  }
0x95: {  	_ =	swait.ge [sflag:s17], $0x1  }
0x96: {  	s2 =	sld [smem:$0x3FFE]  }
0x97: {  	[sflag:s17] =	ssyncset.done $0x0  }
0x98: {  	s18 =	simm.s32 $0x1B8E;
	[sflag:s17] =	ssyncadd.s32 $0xFFFFFFFF  }
0x99: {  	s19 =	simm.s32 $0x9;
	[smem:$0x3FD2] =	sst s18  }
0x9a: {  	s3 =	simm.s32 $0x10;
	_ =	strace $0x80000046;
	s2 =	sadd.s32 $0x600, s2  }
0x9b: {  	[smem:s3], [sflag:s19] =	dma.local [hbm:s2], $0x10  }
0x9c: {  	_ =	swait.ge [sflag:s19], $0x10  }
0x9d: {  	[sflag:s19] =	ssyncset.done $0x0  }
0x9e: {  	[sflag:s19] =	ssyncadd.s32 $0xFFFFFFF0  }
0x9f: {  	s2 =	sld [smem:$0x10]  }
0xa0: {  	s20 =	sld [smem:$0x20];
	_ =	sdelay $0x3  }
0xa1: {  	p0 =	seq.f32 s20, $0.0e+00;
	s3 =	ssub.f32 $0.0e+00, s2  }
0xa2: {  	_ = 	snop  }
0xa3: {  	s2 =	smov.u32 @p0 s3  }
0xa4: {  	s3 =	sand.u32 $0x7FFFFFFF, s2  }
0xa5: {  	s3 =	sxor.u32 $0x80000000, s3  }
0xa6: {  	s3 =	smax.f32 s3, $-8.700000000e+01  }
0xa7: {  	s3 =	smul.f32 $7.812500000e-03, s3;
	_ =	sdelay $0x1  }
0xa8: {  	s4 =	smul.f32 $1.984127010e-04, s3;
	_ =	sdelay $0x1  }
0xa9: {  	s4 =	sadd.f32 $1.388888920e-03, s4;
	_ =	sdelay $0x1  }
0xaa: {  	s4 =	smul.f32 s4, s3;
	_ =	sdelay $0x1  }
0xab: {  	s4 =	sadd.f32 $8.333333770e-03, s4;
	_ =	sdelay $0x1  }
0xac: {  	s4 =	smul.f32 s4, s3;
	_ =	sdelay $0x1  }
0xad: {  	s4 =	sadd.f32 $4.166666790e-02, s4;
	_ =	sdelay $0x1  }
0xae: {  	s4 =	smul.f32 s4, s3;
	_ =	sdelay $0x1  }
0xaf: {  	s4 =	sadd.f32 $1.666666720e-01, s4;
	_ =	sdelay $0x1  }
0xb0: {  	s4 =	smul.f32 s4, s3;
	_ =	sdelay $0x1  }
0xb1: {  	s4 =	sadd.f32 $5.000000000e-01, s4;
	_ =	sdelay $0x1  }
0xb2: {  	s4 =	smul.f32 s4, s3;
	_ =	sdelay $0x1  }
0xb3: {  	s4 =	sadd.f32 $1.000000000e+00, s4;
	_ =	sdelay $0x1  }
0xb4: {  	s3 =	smul.f32 s4, s3;
	_ =	sdelay $0x1  }
0xb5: {  	s3 =	sadd.f32 $1.000000000e+00, s3;
	_ =	sdelay $0x1  }
0xb6: {  	s3 =	smul.f32 s3, s3;
	_ =	sdelay $0x1  }
0xb7: {  	s3 =	smul.f32 s3, s3;
	_ =	sdelay $0x1  }
0xb8: {  	s3 =	smul.f32 s3, s3;
	_ =	sdelay $0x1  }
0xb9: {  	s3 =	smul.f32 s3, s3;
	_ =	sdelay $0x1  }
0xba: {  	s3 =	smul.f32 s3, s3;
	_ =	sdelay $0x1  }
0xbb: {  	s3 =	smul.f32 s3, s3;
	_ =	sdelay $0x1  }
0xbc: {  	s3 =	smul.f32 s3, s3;
	_ =	sdelay $0x1  }
0xbd: {  	s21 =	smul.f32 $6.931471820e-01, s3;
	_ =	sdelay $0x1  }
0xbe: {  	s5 =	ssub.f32 $0.0e+00, s21;
	_ =	sdelay $0x1  }
0xbf: {  	s5 =	smul.f32 $7.812500000e-03, s5;
	_ =	sdelay $0x1  }
0xc0: {  	s6 =	smul.f32 $1.984127010e-04, s5;
	_ =	sdelay $0x1  }
0xc1: {  	s6 =	sadd.f32 $1.388888920e-03, s6;
	_ =	sdelay $0x1  }
0xc2: {  	s6 =	smul.f32 s6, s5;
	_ =	sdelay $0x1  }
0xc3: {  	s6 =	sadd.f32 $8.333333770e-03, s6;
	_ =	sdelay $0x1  }
0xc4: {  	s6 =	smul.f32 s6, s5;
	_ =	sdelay $0x1  }
0xc5: {  	s6 =	sadd.f32 $4.166666790e-02, s6;
	_ =	sdelay $0x1  }
0xc6: {  	s6 =	smul.f32 s6, s5;
	_ =	sdelay $0x1  }
0xc7: {  	s6 =	sadd.f32 $1.666666720e-01, s6;
	_ =	sdelay $0x1  }
0xc8: {  	s6 =	smul.f32 s6, s5;
	_ =	sdelay $0x1  }
0xc9: {  	s6 =	sadd.f32 $5.000000000e-01, s6;
	_ =	sdelay $0x1  }
0xca: {  	s6 =	smul.f32 s6, s5;
	_ =	sdelay $0x1  }
0xcb: {  	s6 =	sadd.f32 $1.000000000e+00, s6;
	_ =	sdelay $0x1  }
0xcc: {  	s5 =	smul.f32 s6, s5;
	_ =	sdelay $0x1  }
0xcd: {  	s5 =	sadd.f32 $1.000000000e+00, s5;
	_ =	sdelay $0x1  }
0xce: {  	s5 =	smul.f32 s5, s5;
	_ =	sdelay $0x1  }
0xcf: {  	s5 =	smul.f32 s5, s5;
	_ =	sdelay $0x1  }
0xd0: {  	s5 =	smul.f32 s5, s5;
	_ =	sdelay $0x1  }
0xd1: {  	s5 =	smul.f32 s5, s5;
	_ =	sdelay $0x1  }
0xd2: {  	s5 =	smul.f32 s5, s5;
	_ =	sdelay $0x1  }
0xd3: {  	s5 =	smul.f32 s5, s5;
	_ =	sdelay $0x1  }
0xd4: {  	s22 =	sadd.f32 $1.000000000e+00, s3;
	s5 =	smul.f32 s5, s5  }
0xd5: {  	_ = 	snop  }
0xd6: {  	s4 =	sadd.f32 $-1.000000000e+00, s21;
	s5 =	smul.f32 s5, s22  }
0xd7: {  	_ = 	snop  }
0xd8: {  	s4 =	sadd.f32 s5, s4;
	_ =	sdelay $0x1  }
0xd9: {  	s5 =	sxor.u32 $0x80000000, s4  }
0xda: {  	s5 =	smin.f32 s5, $0.0e+00  }
0xdb: {  	s5 =	smul.f32 $7.812500000e-03, s5;
	_ =	sdelay $0x1  }
0xdc: {  	s7 =	smul.f32 $1.984127010e-04, s5;
	_ =	sdelay $0x1  }
0xdd: {  	s7 =	sadd.f32 $1.388888920e-03, s7;
	_ =	sdelay $0x1  }
0xde: {  	s7 =	smul.f32 s7, s5;
	_ =	sdelay $0x1  }
0xdf: {  	s7 =	sadd.f32 $8.333333770e-03, s7;
	_ =	sdelay $0x1  }
0xe0: {  	s7 =	smul.f32 s7, s5;
	_ =	sdelay $0x1  }
0xe1: {  	s7 =	sadd.f32 $4.166666790e-02, s7;
	_ =	sdelay $0x1  }
0xe2: {  	s7 =	smul.f32 s7, s5;
	_ =	sdelay $0x1  }
0xe3: {  	s7 =	sadd.f32 $1.666666720e-01, s7;
	_ =	sdelay $0x1  }
0xe4: {  	s7 =	smul.f32 s7, s5;
	_ =	sdelay $0x1  }
0xe5: {  	s7 =	sadd.f32 $5.000000000e-01, s7;
	_ =	sdelay $0x1  }
0xe6: {  	s7 =	smul.f32 s7, s5;
	_ =	sdelay $0x1  }
0xe7: {  	s7 =	sadd.f32 $1.000000000e+00, s7;
	_ =	sdelay $0x1  }
0xe8: {  	s5 =	smul.f32 s7, s5;
	_ =	sdelay $0x1  }
0xe9: {  	s5 =	sadd.f32 $1.000000000e+00, s5;
	_ =	sdelay $0x1  }
0xea: {  	s5 =	smul.f32 s5, s5;
	_ =	sdelay $0x1  }
0xeb: {  	s5 =	smul.f32 s5, s5;
	_ =	sdelay $0x1  }
0xec: {  	s5 =	smul.f32 s5, s5;
	_ =	sdelay $0x1  }
0xed: {  	s5 =	smul.f32 s5, s5;
	_ =	sdelay $0x1  }
0xee: {  	s5 =	smul.f32 s5, s5;
	_ =	sdelay $0x1  }
0xef: {  	s5 =	smul.f32 s5, s5;
	_ =	sdelay $0x1  }
0xf0: {  	s5 =	smul.f32 s5, s5;
	_ =	sdelay $0x1  }
0xf1: {  	s4 =	sadd.f32 $-1.000000000e+00, s4;
	s5 =	smul.f32 s5, s22  }
0xf2: {  	_ = 	snop  }
0xf3: {  	s4 =	sadd.f32 s5, s4;
	_ =	sdelay $0x1  }
0xf4: {  	s5 =	sxor.u32 $0x80000000, s4  }
0xf5: {  	s5 =	smin.f32 s5, $0.0e+00  }
0xf6: {  	s5 =	smul.f32 $7.812500000e-03, s5;
	_ =	sdelay $0x1  }
0xf7: {  	s23 =	smul.f32 $1.984127010e-04, s5;
	_ =	sdelay $0x1  }
0xf8: {  	s7 =	sadd.f32 $1.388888920e-03, s23;
	_ =	sdelay $0x1  }
0xf9: {  	s7 =	smul.f32 s7, s5;
	_ =	sdelay $0x1  }
0xfa: {  	s7 =	sadd.f32 $8.333333770e-03, s7;
	_ =	sdelay $0x1  }
0xfb: {  	s7 =	smul.f32 s7, s5;
	_ =	sdelay $0x1  }
0xfc: {  	s7 =	sadd.f32 $4.166666790e-02, s7;
	_ =	sdelay $0x1  }
0xfd: {  	s7 =	smul.f32 s7, s5;
	_ =	sdelay $0x1  }
0xfe: {  	s7 =	sadd.f32 $1.666666720e-01, s7;
	_ =	sdelay $0x1  }
0xff: {  	s7 =	smul.f32 s7, s5;
	_ =	sdelay $0x1  }
0x100: {  	s7 =	sadd.f32 $5.000000000e-01, s7;
	_ =	sdelay $0x1  }
0x101: {  	s7 =	smul.f32 s7, s5;
	_ =	sdelay $0x1  }
0x102: {  	s7 =	sadd.f32 $1.000000000e+00, s7;
	_ =	sdelay $0x1  }
0x103: {  	s5 =	smul.f32 s7, s5;
	_ =	sdelay $0x1  }
0x104: {  	s5 =	sadd.f32 $1.000000000e+00, s5;
	_ =	sdelay $0x1  }
0x105: {  	s5 =	smul.f32 s5, s5;
	_ =	sdelay $0x1  }
0x106: {  	s5 =	smul.f32 s5, s5;
	_ =	sdelay $0x1  }
0x107: {  	s5 =	smul.f32 s5, s5;
	_ =	sdelay $0x1  }
0x108: {  	s5 =	smul.f32 s5, s5  }
0x109: {  	s24 =	smul.f32 $5.000000000e-01, s3  }
0x10a: {  	s5 =	smul.f32 s5, s5  }
0x10b: {  	s8 =	smul.f32 s3, s3  }
0x10c: {  	s5 =	smul.f32 s5, s5  }
0x10d: {  	s8 =	smul.f32 $3.333333430e-01, s8  }
0x10e: {  	s7 =	ssub.f32 $1.000000000e+00, s24;
	s5 =	smul.f32 s5, s5  }
0x10f: {  	s4 =	sadd.f32 $-1.000000000e+00, s4  }
0x110: {  	s25 =	sadd.f32 s8, s7;
	s5 =	smul.f32 s5, s22  }
0x111: {  	p0 =	slt.f32 s3, $9.999999770e-03  }
0x112: {  	s4 =	sadd.f32 s5, s4;
	s5 =	smul.f32 s25, s3  }
0x113: {  	_ = 	snop  }
0x114: {  	s2 =	smin.f32 s2, $0.0e+00;
	s4 =	smov.u32 @p0 s5  }
0x115: {  	s2 =	ssub.f32 s2, s4;
	_ =	sdelay $0x1  }
0x116: {  	s26 =	simm.s32 $0x90;
	[smem:$0x90] =	sst s2  }
0x117: {  	[hbm:s0], [sflag:s19] =	dma.local [smem:s26], $0x10  }
0x118: {  	_ =	swait.ge [sflag:s19], $0x10  }
0x119: {  	[sflag:s19] =	ssyncset.done $0x0  }
0x11a: {  	[sflag:s19] =	ssyncadd.s32 $0xFFFFFFF0  }
0x11b: {  	_ =	strace $0x90000046  }
0x11c: {  	_ =	sfence  }
0x11d: {  	s28 =	sld [smem:$0x0];
	_ =	sdelay $0x1  }
0x11e: {  	s29 =	srdreg.scid  }
0x11f: {  	s30 =	sshll.u32 s29, $0xD;
	s31 =	sshrl.u32 s29, $0x2  }
0x120: {  	s1 =	sand.u32 $0x1, s29;
	s2 =	sand.u32 $0x4000, s30;
	s0 =	sadd.s32 s31, s28  }
0x121: {  	s1 =	sor.u32 s2, s1;
	s0 =	sshll.u32 s0, $0x11  }
0x122: {  	s0 =	sor.u32 s0, s1  }
0x123: {  	s0 =	sadd.s32 $0x8F2B, s0;
	(pc) =	sbr.abs _section_cstart, $3  }
0x124: {  	[sflag:s0] =	ssyncadd.remote.s32 $0x1  }
0x125: {  	_ =	strace $0x9FFFFFFF  }
0x126: {  	(tm) =	ssettm $0x7FFFFFFF  }
0x127: {  	_ =	shalt  }

</sc_bundles>
